<compile_context>
chip_gen: v7x
topology: tpu7x:2x2x1
jax: 0.10.2.dev20260603
libtpu: 0.0.44.dev20260713+nightly
codegen_flags: <defaults>
</compile_context>

<pallas_src>
import functools

import jax
import jax.numpy as jnp
from jax import lax
from jax.experimental import pallas as pl
from jax.experimental.pallas import tpu as pltpu
from jax.experimental.pallas import tpu_sc as plsc

D = 128
NUM_OFFSETS = 5


_ROWS_PER_BLOCK = 4000


def _table_body(cur_ref, prev_ref, nxt_ref, w1_ref, b1_ref, w2_ref, b2_ref, out_ref):
    i = pl.program_id(0)
    nb = pl.num_programs(0)
    r = _ROWS_PER_BLOCK
    cur = cur_ref[...]
    head = jnp.where(i == 0, jnp.broadcast_to(cur[:1], (2, D)), prev_ref[6:8, :])
    tail = jnp.where(
        i == nb - 1, jnp.broadcast_to(cur[r - 1 :], (2, D)), nxt_ref[0:2, :]
    )
    shifted = [
        jnp.concatenate([head, cur[: r - 2]], axis=0),
        jnp.concatenate([head[1:], cur[: r - 1]], axis=0),
        cur,
        jnp.concatenate([cur[1:], tail[:1]], axis=0),
        jnp.concatenate([cur[2:], tail], axis=0),
    ]
    xcat = jnp.concatenate(shifted, axis=1)
    acc = jnp.dot(xcat, w1_ref[...], preferred_element_type=jnp.float32)
    h = jnp.maximum(acc + b1_ref[...], 0.0)
    out_ref[...] = (
        jnp.dot(h, w2_ref[...], preferred_element_type=jnp.float32) + b2_ref[...]
    )


def _build_table(x, w1r, b1, w2, b2, n_rows):
    grid = n_rows // _ROWS_PER_BLOCK
    bpb = _ROWS_PER_BLOCK // 8
    n8 = n_rows // 8
    return pl.pallas_call(
        _table_body,
        grid=(grid,),
        in_specs=[
            pl.BlockSpec((_ROWS_PER_BLOCK, D), lambda i: (i, 0)),
            pl.BlockSpec((8, D), lambda i: (jnp.maximum(bpb * i - 1, 0), 0)),
            pl.BlockSpec((8, D), lambda i: (jnp.minimum(bpb * (i + 1), n8 - 1), 0)),
            pl.BlockSpec((NUM_OFFSETS * D, D), lambda i: (0, 0)),
            pl.BlockSpec((1, D), lambda i: (0, 0)),
            pl.BlockSpec((D, D), lambda i: (0, 0)),
            pl.BlockSpec((1, D), lambda i: (0, 0)),
        ],
        out_specs=pl.BlockSpec((_ROWS_PER_BLOCK, D), lambda i: (i, 0)),
        out_shape=jax.ShapeDtypeStruct((n_rows, D), jnp.float32),
    )(x, x, x, w1r, b1, w2, b2)



_ROWS_PER_CHUNK = 128


def _make_sc_gather(batch):
    info = plsc.get_sparse_core_info()
    nc, ns = info.num_cores, info.num_subcores
    nw = nc * ns
    chunks_per_worker = batch // (nw * _ROWS_PER_CHUNK)
    mesh = plsc.VectorSubcoreMesh(core_axis_name="c", subcore_axis_name="s")

    @functools.partial(
        pl.kernel,
        mesh=mesh,
        out_type=jax.ShapeDtypeStruct((batch, D), jnp.float32),
        scratch_types=(
            [pltpu.VMEM((chunks_per_worker, _ROWS_PER_CHUNK), jnp.int32)]
            + [pltpu.VMEM((_ROWS_PER_CHUNK, D), jnp.float32) for _ in range(4)]
            + [pltpu.SemaphoreType.DMA for _ in range(8)]
        ),
    )
    def gather(table_hbm, idx_hbm, out_hbm, idx_v, *rest):
        bufs = rest[:4]
        gsems = rest[4:8]
        wsems = rest[8:12]
        wid = lax.axis_index("s") * nc + lax.axis_index("c")
        idx_row0 = wid * chunks_per_worker
        pltpu.sync_copy(idx_hbm.at[pl.ds(idx_row0, chunks_per_worker)], idx_v)
        out_row0 = idx_row0 * _ROWS_PER_CHUNK

        def fire_gather(c, b):
            pltpu.async_copy(table_hbm.at[idx_v.at[c]], bufs[b], gsems[b])

        def fire_write(c, b):
            dst = out_hbm.at[pl.ds(out_row0 + c * _ROWS_PER_CHUNK, _ROWS_PER_CHUNK)]
            pltpu.async_copy(bufs[b], dst, wsems[b])

        def drain(b, sems):
            pltpu.make_async_copy(
                table_hbm.at[pl.ds(0, _ROWS_PER_CHUNK)], bufs[b], sems[b]
            ).wait()

        fire_gather(0, 0)
        fire_gather(1, 1)
        for c in (0, 1):
            fire_gather(c + 2, c + 2)
            drain(c, gsems)
            fire_write(c, c)

        def step(c, u):
            bg = (u + 2) % 4
            drain(bg, wsems)
            fire_gather(c + 2, bg)
            drain(u % 4, gsems)
            fire_write(c, u % 4)

        def body(k, carry):
            for j in range(4):
                step(4 * k + 2 + j, (2 + j) % 4)
            return carry

        lax.fori_loop(0, (chunks_per_worker - 4) // 4, body, 0)
        last = chunks_per_worker - 2
        for c in (last, last + 1):
            b = c % 4
            drain(b, gsems)
            fire_write(c, b)
        for b in range(4):
            drain(b, wsems)

    return gather




def kernel(x_rows, seed_indices, W1, b1, W2, b2):
    n = x_rows.shape[0]
    batch = seed_indices.shape[0]
    table = _build_table(x_rows, W1, b1.reshape(1, D), W2, b2.reshape(1, D), n)
    idx2d = seed_indices.astype(jnp.int32).reshape(-1, _ROWS_PER_CHUNK)
    out = _make_sc_gather(batch)(table, idx2d)
    return out

# --- scband reference (transcript-rebuilt; emitter-appended) ---
"""Pipeline reference for scband-row-mlpaggregator-28011776705094 (READ-ONLY COPY).

The authoritative reference and input builder live on the scoring server;
editing this copy changes nothing except your own understanding.
"""

import jax, jax.numpy as jnp
import numpy as np

N_ROWS = 100000
D = 128
B = 262144
K = 2  # neighbor_k


def setup_inputs(seed: int = 0) -> dict:
    key = jax.random.key(seed)
    k1, k2, k3, k4 = jax.random.split(key, 4)
    x_rows = jax.random.normal(k1, (N_ROWS, D), dtype=jnp.float32)
    seed_indices = jax.random.randint(k2, (B,), 0, N_ROWS, dtype=jnp.int64 if jax.config.jax_enable_x64 else jnp.int32)
    in_dim = D * (2 * K + 1)
    # Linear 1: weight [in_dim, D] (x @ W convention), bias [D]
    W1 = jax.random.normal(k3, (in_dim, D), dtype=jnp.float32) * (1.0 / np.sqrt(in_dim))
    b1 = jnp.zeros((D,), dtype=jnp.float32)
    # Linear 2: weight [D, D], bias [D]
    W2 = jax.random.normal(k4, (D, D), dtype=jnp.float32) * (1.0 / np.sqrt(D))
    b2 = jnp.zeros((D,), dtype=jnp.float32)
    return {"x_rows": x_rows, "seed_indices": seed_indices, "W1": W1, "b1": b1, "W2": W2, "b2": b2}


def reference(x_rows, seed_indices, W1, b1, W2, b2):
    n = x_rows.shape[0]
    chunks = []
    for offset in range(-K, K + 1):
        idx = jnp.clip(seed_indices + offset, 0, n - 1)
        chunks.append(jnp.take(x_rows, idx, axis=0))
    x_cat = jnp.concatenate(chunks, axis=-1)
    h = jnp.maximum(x_cat @ W1 + b1, 0.0)
    out = h @ W2 + b2
    return out

if __name__ == "__main__":
    import jax
    _d = setup_inputs()
    print(jax.jit(kernel)(*tuple(_d.values())))

</pallas_src>

<mosaic_0001>
#map = affine_map<(d0, d1) -> (0, 0)>
module attributes {stable_mosaic.version = 14 : i64} {
  func.func @gather(%arg0: i32, %arg1: i32, %arg2: memref<100000x128xf32, #tpu.memory_space<hbm>>, %arg3: memref<2048x128xi32, #tpu.memory_space<hbm>>, %arg4: memref<262144x128xf32, #tpu.memory_space<hbm>>, %arg5: memref<64x128xi32, #tpu.memory_space<vmem>>, %arg6: memref<128x128xf32, #tpu.memory_space<vmem>>, %arg7: memref<128x128xf32, #tpu.memory_space<vmem>>, %arg8: memref<128x128xf32, #tpu.memory_space<vmem>>, %arg9: memref<128x128xf32, #tpu.memory_space<vmem>>, %arg10: memref<!tpu.dma_semaphore, #tpu.memory_space<semaphore_mem>>, %arg11: memref<!tpu.dma_semaphore, #tpu.memory_space<semaphore_mem>>, %arg12: memref<!tpu.dma_semaphore, #tpu.memory_space<semaphore_mem>>, %arg13: memref<!tpu.dma_semaphore, #tpu.memory_space<semaphore_mem>>, %arg14: memref<!tpu.dma_semaphore, #tpu.memory_space<semaphore_mem>>, %arg15: memref<!tpu.dma_semaphore, #tpu.memory_space<semaphore_mem>>, %arg16: memref<!tpu.dma_semaphore, #tpu.memory_space<semaphore_mem>>, %arg17: memref<!tpu.dma_semaphore, #tpu.memory_space<semaphore_mem>>) attributes {dimension_semantics = [#tpu.dimension_semantics<core_parallel>, #tpu.dimension_semantics<subcore_parallel>], iteration_bounds = array<i64: 2, 16>, scalar_prefetch = 0 : i64, scratch_operands = 13 : i64, tpu.core_type = #tpu.core_type<sc_vector_subcore>, window_params = [{transform_indices = #map}, {transform_indices = #map}, {transform_indices = #map}]} {
    %mul3A = arith.constant 2 : i32
    %mul3A_0 = arith.muli %arg1, %mul3A : i32
    %add3A = arith.addi %mul3A_0, %arg0 : i32
    %mul3A_1 = arith.constant 64 : i32
    %mul3A_2 = arith.muli %add3A, %mul3A_1 : i32
    "tpu.region"() ({
      %run_scoped3A = tpu.sem_alloc : memref<!tpu.dma_semaphore, #tpu.memory_space<semaphore_mem>>
      %dma_start3A_108 = arith.constant 0 : i32
      %dma_start3A_109 = tpu.memref_slice %arg3[%mul3A_2, %dma_start3A_108] : memref<2048x128xi32, #tpu.memory_space<hbm>> -> memref<64x128xi32, #tpu.memory_space<hbm>>
      %dma_start3A_110 = arith.constant 0 : i32
      %dma_start3A_111 = tpu.memref_slice %arg3[%mul3A_2, %dma_start3A_110] : memref<2048x128xi32, #tpu.memory_space<hbm>> -> memref<64x128xi32, #tpu.memory_space<hbm>>
      tpu.enqueue_dma source(%dma_start3A_111 : memref<64x128xi32, #tpu.memory_space<hbm>>) target(%arg5 : memref<64x128xi32, #tpu.memory_space<vmem>>) target_semaphore(%run_scoped3A : memref<!tpu.dma_semaphore, #tpu.memory_space<semaphore_mem>>)
      %dma_wait3A_112 = arith.constant 0 : i32
      %dma_wait3A_113 = tpu.memref_slice %arg3[%mul3A_2, %dma_wait3A_112] : memref<2048x128xi32, #tpu.memory_space<hbm>> -> memref<64x128xi32, #tpu.memory_space<hbm>>
      %dma_wait3A_114 = arith.constant 0 : i32
      %dma_wait3A_115 = tpu.memref_slice %arg3[%mul3A_2, %dma_wait3A_114] : memref<2048x128xi32, #tpu.memory_space<hbm>> -> memref<64x128xi32, #tpu.memory_space<hbm>>
      tpu.wait_dma2 semaphore(%run_scoped3A : memref<!tpu.dma_semaphore, #tpu.memory_space<semaphore_mem>>) src(%dma_wait3A_115 : memref<64x128xi32, #tpu.memory_space<hbm>>) dst(%arg5 : memref<64x128xi32, #tpu.memory_space<vmem>>)
      tpu.yield
    }) : () -> ()
    %mul3A_3 = arith.constant 128 : i32
    %mul3A_4 = arith.muli %mul3A_2, %mul3A_3 : i32
    %dma_start3A = arith.constant 0 : i32
    %dma_start3A_5 = arith.constant 0 : i32
    %dma_start3A_6 = tpu.memref_slice %arg5[%dma_start3A, %dma_start3A_5] : memref<64x128xi32, #tpu.memory_space<vmem>> -> memref<1x128xi32, #tpu.memory_space<vmem>>
    %dma_start3A_7 = tpu.memref_squeeze %dma_start3A_6 : memref<1x128xi32, #tpu.memory_space<vmem>> -> memref<128xi32, #tpu.memory_space<vmem>>
    %dma_start3A_8 = arith.constant 0 : i32
    %dma_start3A_9 = arith.constant 0 : i32
    %dma_start3A_10 = tpu.memref_slice %arg2[%dma_start3A_8, %dma_start3A_9] : memref<100000x128xf32, #tpu.memory_space<hbm>> -> memref<100000x128xf32, #tpu.memory_space<hbm>>
    tpu.enqueue_indirect_dma source(%dma_start3A_10 : memref<100000x128xf32, #tpu.memory_space<hbm>>) target(%arg6 : memref<128x128xf32, #tpu.memory_space<vmem>>) offsets(%dma_start3A_7 : memref<128xi32, #tpu.memory_space<vmem>>) semaphore(%arg10 : memref<!tpu.dma_semaphore, #tpu.memory_space<semaphore_mem>>)
    %dma_start3A_11 = arith.constant 1 : i32
    %dma_start3A_12 = arith.constant 0 : i32
    %dma_start3A_13 = tpu.memref_slice %arg5[%dma_start3A_11, %dma_start3A_12] : memref<64x128xi32, #tpu.memory_space<vmem>> -> memref<1x128xi32, #tpu.memory_space<vmem>>
    %dma_start3A_14 = tpu.memref_squeeze %dma_start3A_13 : memref<1x128xi32, #tpu.memory_space<vmem>> -> memref<128xi32, #tpu.memory_space<vmem>>
    %dma_start3A_15 = arith.constant 0 : i32
    %dma_start3A_16 = arith.constant 0 : i32
    %dma_start3A_17 = tpu.memref_slice %arg2[%dma_start3A_15, %dma_start3A_16] : memref<100000x128xf32, #tpu.memory_space<hbm>> -> memref<100000x128xf32, #tpu.memory_space<hbm>>
    tpu.enqueue_indirect_dma source(%dma_start3A_17 : memref<100000x128xf32, #tpu.memory_space<hbm>>) target(%arg7 : memref<128x128xf32, #tpu.memory_space<vmem>>) offsets(%dma_start3A_14 : memref<128xi32, #tpu.memory_space<vmem>>) semaphore(%arg11 : memref<!tpu.dma_semaphore, #tpu.memory_space<semaphore_mem>>)
    %dma_start3A_18 = arith.constant 2 : i32
    %dma_start3A_19 = arith.constant 0 : i32
    %dma_start3A_20 = tpu.memref_slice %arg5[%dma_start3A_18, %dma_start3A_19] : memref<64x128xi32, #tpu.memory_space<vmem>> -> memref<1x128xi32, #tpu.memory_space<vmem>>
    %dma_start3A_21 = tpu.memref_squeeze %dma_start3A_20 : memref<1x128xi32, #tpu.memory_space<vmem>> -> memref<128xi32, #tpu.memory_space<vmem>>
    %dma_start3A_22 = arith.constant 0 : i32
    %dma_start3A_23 = arith.constant 0 : i32
    %dma_start3A_24 = tpu.memref_slice %arg2[%dma_start3A_22, %dma_start3A_23] : memref<100000x128xf32, #tpu.memory_space<hbm>> -> memref<100000x128xf32, #tpu.memory_space<hbm>>
    tpu.enqueue_indirect_dma source(%dma_start3A_24 : memref<100000x128xf32, #tpu.memory_space<hbm>>) target(%arg8 : memref<128x128xf32, #tpu.memory_space<vmem>>) offsets(%dma_start3A_21 : memref<128xi32, #tpu.memory_space<vmem>>) semaphore(%arg12 : memref<!tpu.dma_semaphore, #tpu.memory_space<semaphore_mem>>)
    %dma_wait3A = arith.constant 0 : i32
    %dma_wait3A_25 = arith.constant 0 : i32
    %dma_wait3A_26 = tpu.memref_slice %arg2[%dma_wait3A, %dma_wait3A_25] : memref<100000x128xf32, #tpu.memory_space<hbm>> -> memref<128x128xf32, #tpu.memory_space<hbm>>
    %dma_wait3A_27 = arith.constant 0 : i32
    %dma_wait3A_28 = arith.constant 0 : i32
    %dma_wait3A_29 = tpu.memref_slice %arg2[%dma_wait3A_27, %dma_wait3A_28] : memref<100000x128xf32, #tpu.memory_space<hbm>> -> memref<128x128xf32, #tpu.memory_space<hbm>>
    tpu.wait_dma2 semaphore(%arg10 : memref<!tpu.dma_semaphore, #tpu.memory_space<semaphore_mem>>) src(%dma_wait3A_29 : memref<128x128xf32, #tpu.memory_space<hbm>>) dst(%arg6 : memref<128x128xf32, #tpu.memory_space<vmem>>)
    %add3A_30 = arith.constant 0 : i32
    %add3A_31 = arith.addi %mul3A_4, %add3A_30 : i32
    %dma_start3A_32 = arith.constant 0 : i32
    %dma_start3A_33 = tpu.memref_slice %arg4[%add3A_31, %dma_start3A_32] : memref<262144x128xf32, #tpu.memory_space<hbm>> -> memref<128x128xf32, #tpu.memory_space<hbm>>
    %dma_start3A_34 = arith.constant 0 : i32
    %dma_start3A_35 = tpu.memref_slice %arg4[%add3A_31, %dma_start3A_34] : memref<262144x128xf32, #tpu.memory_space<hbm>> -> memref<128x128xf32, #tpu.memory_space<hbm>>
    tpu.enqueue_dma source(%arg6 : memref<128x128xf32, #tpu.memory_space<vmem>>) target(%dma_start3A_35 : memref<128x128xf32, #tpu.memory_space<hbm>>) target_semaphore(%arg14 : memref<!tpu.dma_semaphore, #tpu.memory_space<semaphore_mem>>)
    %dma_start3A_36 = arith.constant 3 : i32
    %dma_start3A_37 = arith.constant 0 : i32
    %dma_start3A_38 = tpu.memref_slice %arg5[%dma_start3A_36, %dma_start3A_37] : memref<64x128xi32, #tpu.memory_space<vmem>> -> memref<1x128xi32, #tpu.memory_space<vmem>>
    %dma_start3A_39 = tpu.memref_squeeze %dma_start3A_38 : memref<1x128xi32, #tpu.memory_space<vmem>> -> memref<128xi32, #tpu.memory_space<vmem>>
    %dma_start3A_40 = arith.constant 0 : i32
    %dma_start3A_41 = arith.constant 0 : i32
    %dma_start3A_42 = tpu.memref_slice %arg2[%dma_start3A_40, %dma_start3A_41] : memref<100000x128xf32, #tpu.memory_space<hbm>> -> memref<100000x128xf32, #tpu.memory_space<hbm>>
    tpu.enqueue_indirect_dma source(%dma_start3A_42 : memref<100000x128xf32, #tpu.memory_space<hbm>>) target(%arg9 : memref<128x128xf32, #tpu.memory_space<vmem>>) offsets(%dma_start3A_39 : memref<128xi32, #tpu.memory_space<vmem>>) semaphore(%arg13 : memref<!tpu.dma_semaphore, #tpu.memory_space<semaphore_mem>>)
    %dma_wait3A_43 = arith.constant 0 : i32
    %dma_wait3A_44 = arith.constant 0 : i32
    %dma_wait3A_45 = tpu.memref_slice %arg2[%dma_wait3A_43, %dma_wait3A_44] : memref<100000x128xf32, #tpu.memory_space<hbm>> -> memref<128x128xf32, #tpu.memory_space<hbm>>
    %dma_wait3A_46 = arith.constant 0 : i32
    %dma_wait3A_47 = arith.constant 0 : i32
    %dma_wait3A_48 = tpu.memref_slice %arg2[%dma_wait3A_46, %dma_wait3A_47] : memref<100000x128xf32, #tpu.memory_space<hbm>> -> memref<128x128xf32, #tpu.memory_space<hbm>>
    tpu.wait_dma2 semaphore(%arg11 : memref<!tpu.dma_semaphore, #tpu.memory_space<semaphore_mem>>) src(%dma_wait3A_48 : memref<128x128xf32, #tpu.memory_space<hbm>>) dst(%arg7 : memref<128x128xf32, #tpu.memory_space<vmem>>)
    %add3A_49 = arith.constant 128 : i32
    %add3A_50 = arith.addi %mul3A_4, %add3A_49 : i32
    %dma_start3A_51 = arith.constant 0 : i32
    %dma_start3A_52 = tpu.memref_slice %arg4[%add3A_50, %dma_start3A_51] : memref<262144x128xf32, #tpu.memory_space<hbm>> -> memref<128x128xf32, #tpu.memory_space<hbm>>
    %dma_start3A_53 = arith.constant 0 : i32
    %dma_start3A_54 = tpu.memref_slice %arg4[%add3A_50, %dma_start3A_53] : memref<262144x128xf32, #tpu.memory_space<hbm>> -> memref<128x128xf32, #tpu.memory_space<hbm>>
    tpu.enqueue_dma source(%arg7 : memref<128x128xf32, #tpu.memory_space<vmem>>) target(%dma_start3A_54 : memref<128x128xf32, #tpu.memory_space<hbm>>) target_semaphore(%arg15 : memref<!tpu.dma_semaphore, #tpu.memory_space<semaphore_mem>>)
    %scan3A = arith.constant 0 : i32
    %scan3A_55 = arith.constant 0 : i32
    %scan3A_56 = arith.constant 15 : i32
    %scan3A_57 = arith.addi %scan3A_55, %scan3A_56 : i32
    %scan3A_58 = arith.constant 1 : i32
    scf.for %scan3A_108 = %scan3A_55 to %scan3A_57 step %scan3A_58  : i32 {
      %mul3A_109 = arith.constant 4 : i32
      %mul3A_110 = arith.muli %mul3A_109, %scan3A_108 : i32
      %add3A_111 = arith.constant 2 : i32
      %add3A_112 = arith.addi %mul3A_110, %add3A_111 : i32
      %add3A_113 = arith.constant 0 : i32
      %add3A_114 = arith.addi %add3A_112, %add3A_113 : i32
      %dma_wait3A_115 = arith.constant 0 : i32
      %dma_wait3A_116 = arith.constant 0 : i32
      %dma_wait3A_117 = tpu.memref_slice %arg2[%dma_wait3A_115, %dma_wait3A_116] : memref<100000x128xf32, #tpu.memory_space<hbm>> -> memref<128x128xf32, #tpu.memory_space<hbm>>
      %dma_wait3A_118 = arith.constant 0 : i32
      %dma_wait3A_119 = arith.constant 0 : i32
      %dma_wait3A_120 = tpu.memref_slice %arg2[%dma_wait3A_118, %dma_wait3A_119] : memref<100000x128xf32, #tpu.memory_space<hbm>> -> memref<128x128xf32, #tpu.memory_space<hbm>>
      tpu.wait_dma2 semaphore(%arg14 : memref<!tpu.dma_semaphore, #tpu.memory_space<semaphore_mem>>) src(%dma_wait3A_120 : memref<128x128xf32, #tpu.memory_space<hbm>>) dst(%arg6 : memref<128x128xf32, #tpu.memory_space<vmem>>)
      %add3A_121 = arith.constant 2 : i32
      %add3A_122 = arith.addi %add3A_114, %add3A_121 : i32
      %dma_start3A_123 = arith.constant 0 : i32
      %dma_start3A_124 = tpu.memref_slice %arg5[%add3A_122, %dma_start3A_123] : memref<64x128xi32, #tpu.memory_space<vmem>> -> memref<1x128xi32, #tpu.memory_space<vmem>>
      %dma_start3A_125 = tpu.memref_squeeze %dma_start3A_124 : memref<1x128xi32, #tpu.memory_space<vmem>> -> memref<128xi32, #tpu.memory_space<vmem>>
      %dma_start3A_126 = arith.constant 0 : i32
      %dma_start3A_127 = arith.constant 0 : i32
      %dma_start3A_128 = tpu.memref_slice %arg2[%dma_start3A_126, %dma_start3A_127] : memref<100000x128xf32, #tpu.memory_space<hbm>> -> memref<100000x128xf32, #tpu.memory_space<hbm>>
      tpu.enqueue_indirect_dma source(%dma_start3A_128 : memref<100000x128xf32, #tpu.memory_space<hbm>>) target(%arg6 : memref<128x128xf32, #tpu.memory_space<vmem>>) offsets(%dma_start3A_125 : memref<128xi32, #tpu.memory_space<vmem>>) semaphore(%arg10 : memref<!tpu.dma_semaphore, #tpu.memory_space<semaphore_mem>>)
      %dma_wait3A_129 = arith.constant 0 : i32
      %dma_wait3A_130 = arith.constant 0 : i32
      %dma_wait3A_131 = tpu.memref_slice %arg2[%dma_wait3A_129, %dma_wait3A_130] : memref<100000x128xf32, #tpu.memory_space<hbm>> -> memref<128x128xf32, #tpu.memory_space<hbm>>
      %dma_wait3A_132 = arith.constant 0 : i32
      %dma_wait3A_133 = arith.constant 0 : i32
      %dma_wait3A_134 = tpu.memref_slice %arg2[%dma_wait3A_132, %dma_wait3A_133] : memref<100000x128xf32, #tpu.memory_space<hbm>> -> memref<128x128xf32, #tpu.memory_space<hbm>>
      tpu.wait_dma2 semaphore(%arg12 : memref<!tpu.dma_semaphore, #tpu.memory_space<semaphore_mem>>) src(%dma_wait3A_134 : memref<128x128xf32, #tpu.memory_space<hbm>>) dst(%arg8 : memref<128x128xf32, #tpu.memory_space<vmem>>)
      %mul3A_135 = arith.constant 128 : i32
      %mul3A_136 = arith.muli %add3A_114, %mul3A_135 : i32
      %add3A_137 = arith.addi %mul3A_4, %mul3A_136 : i32
      %dma_start3A_138 = arith.constant 0 : i32
      %dma_start3A_139 = tpu.memref_slice %arg4[%add3A_137, %dma_start3A_138] : memref<262144x128xf32, #tpu.memory_space<hbm>> -> memref<128x128xf32, #tpu.memory_space<hbm>>
      %dma_start3A_140 = arith.constant 0 : i32
      %dma_start3A_141 = tpu.memref_slice %arg4[%add3A_137, %dma_start3A_140] : memref<262144x128xf32, #tpu.memory_space<hbm>> -> memref<128x128xf32, #tpu.memory_space<hbm>>
      tpu.enqueue_dma source(%arg8 : memref<128x128xf32, #tpu.memory_space<vmem>>) target(%dma_start3A_141 : memref<128x128xf32, #tpu.memory_space<hbm>>) target_semaphore(%arg16 : memref<!tpu.dma_semaphore, #tpu.memory_space<semaphore_mem>>)
      %mul3A_142 = arith.constant 4 : i32
      %mul3A_143 = arith.muli %mul3A_142, %scan3A_108 : i32
      %add3A_144 = arith.constant 2 : i32
      %add3A_145 = arith.addi %mul3A_143, %add3A_144 : i32
      %add3A_146 = arith.constant 1 : i32
      %add3A_147 = arith.addi %add3A_145, %add3A_146 : i32
      %dma_wait3A_148 = arith.constant 0 : i32
      %dma_wait3A_149 = arith.constant 0 : i32
      %dma_wait3A_150 = tpu.memref_slice %arg2[%dma_wait3A_148, %dma_wait3A_149] : memref<100000x128xf32, #tpu.memory_space<hbm>> -> memref<128x128xf32, #tpu.memory_space<hbm>>
      %dma_wait3A_151 = arith.constant 0 : i32
      %dma_wait3A_152 = arith.constant 0 : i32
      %dma_wait3A_153 = tpu.memref_slice %arg2[%dma_wait3A_151, %dma_wait3A_152] : memref<100000x128xf32, #tpu.memory_space<hbm>> -> memref<128x128xf32, #tpu.memory_space<hbm>>
      tpu.wait_dma2 semaphore(%arg15 : memref<!tpu.dma_semaphore, #tpu.memory_space<semaphore_mem>>) src(%dma_wait3A_153 : memref<128x128xf32, #tpu.memory_space<hbm>>) dst(%arg7 : memref<128x128xf32, #tpu.memory_space<vmem>>)
      %add3A_154 = arith.constant 2 : i32
      %add3A_155 = arith.addi %add3A_147, %add3A_154 : i32
      %dma_start3A_156 = arith.constant 0 : i32
      %dma_start3A_157 = tpu.memref_slice %arg5[%add3A_155, %dma_start3A_156] : memref<64x128xi32, #tpu.memory_space<vmem>> -> memref<1x128xi32, #tpu.memory_space<vmem>>
      %dma_start3A_158 = tpu.memref_squeeze %dma_start3A_157 : memref<1x128xi32, #tpu.memory_space<vmem>> -> memref<128xi32, #tpu.memory_space<vmem>>
      %dma_start3A_159 = arith.constant 0 : i32
      %dma_start3A_160 = arith.constant 0 : i32
      %dma_start3A_161 = tpu.memref_slice %arg2[%dma_start3A_159, %dma_start3A_160] : memref<100000x128xf32, #tpu.memory_space<hbm>> -> memref<100000x128xf32, #tpu.memory_space<hbm>>
      tpu.enqueue_indirect_dma source(%dma_start3A_161 : memref<100000x128xf32, #tpu.memory_space<hbm>>) target(%arg7 : memref<128x128xf32, #tpu.memory_space<vmem>>) offsets(%dma_start3A_158 : memref<128xi32, #tpu.memory_space<vmem>>) semaphore(%arg11 : memref<!tpu.dma_semaphore, #tpu.memory_space<semaphore_mem>>)
      %dma_wait3A_162 = arith.constant 0 : i32
      %dma_wait3A_163 = arith.constant 0 : i32
      %dma_wait3A_164 = tpu.memref_slice %arg2[%dma_wait3A_162, %dma_wait3A_163] : memref<100000x128xf32, #tpu.memory_space<hbm>> -> memref<128x128xf32, #tpu.memory_space<hbm>>
      %dma_wait3A_165 = arith.constant 0 : i32
      %dma_wait3A_166 = arith.constant 0 : i32
      %dma_wait3A_167 = tpu.memref_slice %arg2[%dma_wait3A_165, %dma_wait3A_166] : memref<100000x128xf32, #tpu.memory_space<hbm>> -> memref<128x128xf32, #tpu.memory_space<hbm>>
      tpu.wait_dma2 semaphore(%arg13 : memref<!tpu.dma_semaphore, #tpu.memory_space<semaphore_mem>>) src(%dma_wait3A_167 : memref<128x128xf32, #tpu.memory_space<hbm>>) dst(%arg9 : memref<128x128xf32, #tpu.memory_space<vmem>>)
      %mul3A_168 = arith.constant 128 : i32
      %mul3A_169 = arith.muli %add3A_147, %mul3A_168 : i32
      %add3A_170 = arith.addi %mul3A_4, %mul3A_169 : i32
      %dma_start3A_171 = arith.constant 0 : i32
      %dma_start3A_172 = tpu.memref_slice %arg4[%add3A_170, %dma_start3A_171] : memref<262144x128xf32, #tpu.memory_space<hbm>> -> memref<128x128xf32, #tpu.memory_space<hbm>>
      %dma_start3A_173 = arith.constant 0 : i32
      %dma_start3A_174 = tpu.memref_slice %arg4[%add3A_170, %dma_start3A_173] : memref<262144x128xf32, #tpu.memory_space<hbm>> -> memref<128x128xf32, #tpu.memory_space<hbm>>
      tpu.enqueue_dma source(%arg9 : memref<128x128xf32, #tpu.memory_space<vmem>>) target(%dma_start3A_174 : memref<128x128xf32, #tpu.memory_space<hbm>>) target_semaphore(%arg17 : memref<!tpu.dma_semaphore, #tpu.memory_space<semaphore_mem>>)
      %mul3A_175 = arith.constant 4 : i32
      %mul3A_176 = arith.muli %mul3A_175, %scan3A_108 : i32
      %add3A_177 = arith.constant 2 : i32
      %add3A_178 = arith.addi %mul3A_176, %add3A_177 : i32
      %add3A_179 = arith.constant 2 : i32
      %add3A_180 = arith.addi %add3A_178, %add3A_179 : i32
      %dma_wait3A_181 = arith.constant 0 : i32
      %dma_wait3A_182 = arith.constant 0 : i32
      %dma_wait3A_183 = tpu.memref_slice %arg2[%dma_wait3A_181, %dma_wait3A_182] : memref<100000x128xf32, #tpu.memory_space<hbm>> -> memref<128x128xf32, #tpu.memory_space<hbm>>
      %dma_wait3A_184 = arith.constant 0 : i32
      %dma_wait3A_185 = arith.constant 0 : i32
      %dma_wait3A_186 = tpu.memref_slice %arg2[%dma_wait3A_184, %dma_wait3A_185] : memref<100000x128xf32, #tpu.memory_space<hbm>> -> memref<128x128xf32, #tpu.memory_space<hbm>>
      tpu.wait_dma2 semaphore(%arg16 : memref<!tpu.dma_semaphore, #tpu.memory_space<semaphore_mem>>) src(%dma_wait3A_186 : memref<128x128xf32, #tpu.memory_space<hbm>>) dst(%arg8 : memref<128x128xf32, #tpu.memory_space<vmem>>)
      %add3A_187 = arith.constant 2 : i32
      %add3A_188 = arith.addi %add3A_180, %add3A_187 : i32
      %dma_start3A_189 = arith.constant 0 : i32
      %dma_start3A_190 = tpu.memref_slice %arg5[%add3A_188, %dma_start3A_189] : memref<64x128xi32, #tpu.memory_space<vmem>> -> memref<1x128xi32, #tpu.memory_space<vmem>>
      %dma_start3A_191 = tpu.memref_squeeze %dma_start3A_190 : memref<1x128xi32, #tpu.memory_space<vmem>> -> memref<128xi32, #tpu.memory_space<vmem>>
      %dma_start3A_192 = arith.constant 0 : i32
      %dma_start3A_193 = arith.constant 0 : i32
      %dma_start3A_194 = tpu.memref_slice %arg2[%dma_start3A_192, %dma_start3A_193] : memref<100000x128xf32, #tpu.memory_space<hbm>> -> memref<100000x128xf32, #tpu.memory_space<hbm>>
      tpu.enqueue_indirect_dma source(%dma_start3A_194 : memref<100000x128xf32, #tpu.memory_space<hbm>>) target(%arg8 : memref<128x128xf32, #tpu.memory_space<vmem>>) offsets(%dma_start3A_191 : memref<128xi32, #tpu.memory_space<vmem>>) semaphore(%arg12 : memref<!tpu.dma_semaphore, #tpu.memory_space<semaphore_mem>>)
      %dma_wait3A_195 = arith.constant 0 : i32
      %dma_wait3A_196 = arith.constant 0 : i32
      %dma_wait3A_197 = tpu.memref_slice %arg2[%dma_wait3A_195, %dma_wait3A_196] : memref<100000x128xf32, #tpu.memory_space<hbm>> -> memref<128x128xf32, #tpu.memory_space<hbm>>
      %dma_wait3A_198 = arith.constant 0 : i32
      %dma_wait3A_199 = arith.constant 0 : i32
      %dma_wait3A_200 = tpu.memref_slice %arg2[%dma_wait3A_198, %dma_wait3A_199] : memref<100000x128xf32, #tpu.memory_space<hbm>> -> memref<128x128xf32, #tpu.memory_space<hbm>>
      tpu.wait_dma2 semaphore(%arg10 : memref<!tpu.dma_semaphore, #tpu.memory_space<semaphore_mem>>) src(%dma_wait3A_200 : memref<128x128xf32, #tpu.memory_space<hbm>>) dst(%arg6 : memref<128x128xf32, #tpu.memory_space<vmem>>)
      %mul3A_201 = arith.constant 128 : i32
      %mul3A_202 = arith.muli %add3A_180, %mul3A_201 : i32
      %add3A_203 = arith.addi %mul3A_4, %mul3A_202 : i32
      %dma_start3A_204 = arith.constant 0 : i32
      %dma_start3A_205 = tpu.memref_slice %arg4[%add3A_203, %dma_start3A_204] : memref<262144x128xf32, #tpu.memory_space<hbm>> -> memref<128x128xf32, #tpu.memory_space<hbm>>
      %dma_start3A_206 = arith.constant 0 : i32
      %dma_start3A_207 = tpu.memref_slice %arg4[%add3A_203, %dma_start3A_206] : memref<262144x128xf32, #tpu.memory_space<hbm>> -> memref<128x128xf32, #tpu.memory_space<hbm>>
      tpu.enqueue_dma source(%arg6 : memref<128x128xf32, #tpu.memory_space<vmem>>) target(%dma_start3A_207 : memref<128x128xf32, #tpu.memory_space<hbm>>) target_semaphore(%arg14 : memref<!tpu.dma_semaphore, #tpu.memory_space<semaphore_mem>>)
      %mul3A_208 = arith.constant 4 : i32
      %mul3A_209 = arith.muli %mul3A_208, %scan3A_108 : i32
      %add3A_210 = arith.constant 2 : i32
      %add3A_211 = arith.addi %mul3A_209, %add3A_210 : i32
      %add3A_212 = arith.constant 3 : i32
      %add3A_213 = arith.addi %add3A_211, %add3A_212 : i32
      %dma_wait3A_214 = arith.constant 0 : i32
      %dma_wait3A_215 = arith.constant 0 : i32
      %dma_wait3A_216 = tpu.memref_slice %arg2[%dma_wait3A_214, %dma_wait3A_215] : memref<100000x128xf32, #tpu.memory_space<hbm>> -> memref<128x128xf32, #tpu.memory_space<hbm>>
      %dma_wait3A_217 = arith.constant 0 : i32
      %dma_wait3A_218 = arith.constant 0 : i32
      %dma_wait3A_219 = tpu.memref_slice %arg2[%dma_wait3A_217, %dma_wait3A_218] : memref<100000x128xf32, #tpu.memory_space<hbm>> -> memref<128x128xf32, #tpu.memory_space<hbm>>
      tpu.wait_dma2 semaphore(%arg17 : memref<!tpu.dma_semaphore, #tpu.memory_space<semaphore_mem>>) src(%dma_wait3A_219 : memref<128x128xf32, #tpu.memory_space<hbm>>) dst(%arg9 : memref<128x128xf32, #tpu.memory_space<vmem>>)
      %add3A_220 = arith.constant 2 : i32
      %add3A_221 = arith.addi %add3A_213, %add3A_220 : i32
      %dma_start3A_222 = arith.constant 0 : i32
      %dma_start3A_223 = tpu.memref_slice %arg5[%add3A_221, %dma_start3A_222] : memref<64x128xi32, #tpu.memory_space<vmem>> -> memref<1x128xi32, #tpu.memory_space<vmem>>
      %dma_start3A_224 = tpu.memref_squeeze %dma_start3A_223 : memref<1x128xi32, #tpu.memory_space<vmem>> -> memref<128xi32, #tpu.memory_space<vmem>>
      %dma_start3A_225 = arith.constant 0 : i32
      %dma_start3A_226 = arith.constant 0 : i32
      %dma_start3A_227 = tpu.memref_slice %arg2[%dma_start3A_225, %dma_start3A_226] : memref<100000x128xf32, #tpu.memory_space<hbm>> -> memref<100000x128xf32, #tpu.memory_space<hbm>>
      tpu.enqueue_indirect_dma source(%dma_start3A_227 : memref<100000x128xf32, #tpu.memory_space<hbm>>) target(%arg9 : memref<128x128xf32, #tpu.memory_space<vmem>>) offsets(%dma_start3A_224 : memref<128xi32, #tpu.memory_space<vmem>>) semaphore(%arg13 : memref<!tpu.dma_semaphore, #tpu.memory_space<semaphore_mem>>)
      %dma_wait3A_228 = arith.constant 0 : i32
      %dma_wait3A_229 = arith.constant 0 : i32
      %dma_wait3A_230 = tpu.memref_slice %arg2[%dma_wait3A_228, %dma_wait3A_229] : memref<100000x128xf32, #tpu.memory_space<hbm>> -> memref<128x128xf32, #tpu.memory_space<hbm>>
      %dma_wait3A_231 = arith.constant 0 : i32
      %dma_wait3A_232 = arith.constant 0 : i32
      %dma_wait3A_233 = tpu.memref_slice %arg2[%dma_wait3A_231, %dma_wait3A_232] : memref<100000x128xf32, #tpu.memory_space<hbm>> -> memref<128x128xf32, #tpu.memory_space<hbm>>
      tpu.wait_dma2 semaphore(%arg11 : memref<!tpu.dma_semaphore, #tpu.memory_space<semaphore_mem>>) src(%dma_wait3A_233 : memref<128x128xf32, #tpu.memory_space<hbm>>) dst(%arg7 : memref<128x128xf32, #tpu.memory_space<vmem>>)
      %mul3A_234 = arith.constant 128 : i32
      %mul3A_235 = arith.muli %add3A_213, %mul3A_234 : i32
      %add3A_236 = arith.addi %mul3A_4, %mul3A_235 : i32
      %dma_start3A_237 = arith.constant 0 : i32
      %dma_start3A_238 = tpu.memref_slice %arg4[%add3A_236, %dma_start3A_237] : memref<262144x128xf32, #tpu.memory_space<hbm>> -> memref<128x128xf32, #tpu.memory_space<hbm>>
      %dma_start3A_239 = arith.constant 0 : i32
      %dma_start3A_240 = tpu.memref_slice %arg4[%add3A_236, %dma_start3A_239] : memref<262144x128xf32, #tpu.memory_space<hbm>> -> memref<128x128xf32, #tpu.memory_space<hbm>>
      tpu.enqueue_dma source(%arg7 : memref<128x128xf32, #tpu.memory_space<vmem>>) target(%dma_start3A_240 : memref<128x128xf32, #tpu.memory_space<hbm>>) target_semaphore(%arg15 : memref<!tpu.dma_semaphore, #tpu.memory_space<semaphore_mem>>)
    }
    %scan3A_59 = arith.constant 15 : i32
    %dma_wait3A_60 = arith.constant 0 : i32
    %dma_wait3A_61 = arith.constant 0 : i32
    %dma_wait3A_62 = tpu.memref_slice %arg2[%dma_wait3A_60, %dma_wait3A_61] : memref<100000x128xf32, #tpu.memory_space<hbm>> -> memref<128x128xf32, #tpu.memory_space<hbm>>
    %dma_wait3A_63 = arith.constant 0 : i32
    %dma_wait3A_64 = arith.constant 0 : i32
    %dma_wait3A_65 = tpu.memref_slice %arg2[%dma_wait3A_63, %dma_wait3A_64] : memref<100000x128xf32, #tpu.memory_space<hbm>> -> memref<128x128xf32, #tpu.memory_space<hbm>>
    tpu.wait_dma2 semaphore(%arg12 : memref<!tpu.dma_semaphore, #tpu.memory_space<semaphore_mem>>) src(%dma_wait3A_65 : memref<128x128xf32, #tpu.memory_space<hbm>>) dst(%arg8 : memref<128x128xf32, #tpu.memory_space<vmem>>)
    %add3A_66 = arith.constant 7936 : i32
    %add3A_67 = arith.addi %mul3A_4, %add3A_66 : i32
    %dma_start3A_68 = arith.constant 0 : i32
    %dma_start3A_69 = tpu.memref_slice %arg4[%add3A_67, %dma_start3A_68] : memref<262144x128xf32, #tpu.memory_space<hbm>> -> memref<128x128xf32, #tpu.memory_space<hbm>>
    %dma_start3A_70 = arith.constant 0 : i32
    %dma_start3A_71 = tpu.memref_slice %arg4[%add3A_67, %dma_start3A_70] : memref<262144x128xf32, #tpu.memory_space<hbm>> -> memref<128x128xf32, #tpu.memory_space<hbm>>
    tpu.enqueue_dma source(%arg8 : memref<128x128xf32, #tpu.memory_space<vmem>>) target(%dma_start3A_71 : memref<128x128xf32, #tpu.memory_space<hbm>>) target_semaphore(%arg16 : memref<!tpu.dma_semaphore, #tpu.memory_space<semaphore_mem>>)
    %dma_wait3A_72 = arith.constant 0 : i32
    %dma_wait3A_73 = arith.constant 0 : i32
    %dma_wait3A_74 = tpu.memref_slice %arg2[%dma_wait3A_72, %dma_wait3A_73] : memref<100000x128xf32, #tpu.memory_space<hbm>> -> memref<128x128xf32, #tpu.memory_space<hbm>>
    %dma_wait3A_75 = arith.constant 0 : i32
    %dma_wait3A_76 = arith.constant 0 : i32
    %dma_wait3A_77 = tpu.memref_slice %arg2[%dma_wait3A_75, %dma_wait3A_76] : memref<100000x128xf32, #tpu.memory_space<hbm>> -> memref<128x128xf32, #tpu.memory_space<hbm>>
    tpu.wait_dma2 semaphore(%arg13 : memref<!tpu.dma_semaphore, #tpu.memory_space<semaphore_mem>>) src(%dma_wait3A_77 : memref<128x128xf32, #tpu.memory_space<hbm>>) dst(%arg9 : memref<128x128xf32, #tpu.memory_space<vmem>>)
    %add3A_78 = arith.constant 8064 : i32
    %add3A_79 = arith.addi %mul3A_4, %add3A_78 : i32
    %dma_start3A_80 = arith.constant 0 : i32
    %dma_start3A_81 = tpu.memref_slice %arg4[%add3A_79, %dma_start3A_80] : memref<262144x128xf32, #tpu.memory_space<hbm>> -> memref<128x128xf32, #tpu.memory_space<hbm>>
    %dma_start3A_82 = arith.constant 0 : i32
    %dma_start3A_83 = tpu.memref_slice %arg4[%add3A_79, %dma_start3A_82] : memref<262144x128xf32, #tpu.memory_space<hbm>> -> memref<128x128xf32, #tpu.memory_space<hbm>>
    tpu.enqueue_dma source(%arg9 : memref<128x128xf32, #tpu.memory_space<vmem>>) target(%dma_start3A_83 : memref<128x128xf32, #tpu.memory_space<hbm>>) target_semaphore(%arg17 : memref<!tpu.dma_semaphore, #tpu.memory_space<semaphore_mem>>)
    %dma_wait3A_84 = arith.constant 0 : i32
    %dma_wait3A_85 = arith.constant 0 : i32
    %dma_wait3A_86 = tpu.memref_slice %arg2[%dma_wait3A_84, %dma_wait3A_85] : memref<100000x128xf32, #tpu.memory_space<hbm>> -> memref<128x128xf32, #tpu.memory_space<hbm>>
    %dma_wait3A_87 = arith.constant 0 : i32
    %dma_wait3A_88 = arith.constant 0 : i32
    %dma_wait3A_89 = tpu.memref_slice %arg2[%dma_wait3A_87, %dma_wait3A_88] : memref<100000x128xf32, #tpu.memory_space<hbm>> -> memref<128x128xf32, #tpu.memory_space<hbm>>
    tpu.wait_dma2 semaphore(%arg14 : memref<!tpu.dma_semaphore, #tpu.memory_space<semaphore_mem>>) src(%dma_wait3A_89 : memref<128x128xf32, #tpu.memory_space<hbm>>) dst(%arg6 : memref<128x128xf32, #tpu.memory_space<vmem>>)
    %dma_wait3A_90 = arith.constant 0 : i32
    %dma_wait3A_91 = arith.constant 0 : i32
    %dma_wait3A_92 = tpu.memref_slice %arg2[%dma_wait3A_90, %dma_wait3A_91] : memref<100000x128xf32, #tpu.memory_space<hbm>> -> memref<128x128xf32, #tpu.memory_space<hbm>>
    %dma_wait3A_93 = arith.constant 0 : i32
    %dma_wait3A_94 = arith.constant 0 : i32
    %dma_wait3A_95 = tpu.memref_slice %arg2[%dma_wait3A_93, %dma_wait3A_94] : memref<100000x128xf32, #tpu.memory_space<hbm>> -> memref<128x128xf32, #tpu.memory_space<hbm>>
    tpu.wait_dma2 semaphore(%arg15 : memref<!tpu.dma_semaphore, #tpu.memory_space<semaphore_mem>>) src(%dma_wait3A_95 : memref<128x128xf32, #tpu.memory_space<hbm>>) dst(%arg7 : memref<128x128xf32, #tpu.memory_space<vmem>>)
    %dma_wait3A_96 = arith.constant 0 : i32
    %dma_wait3A_97 = arith.constant 0 : i32
    %dma_wait3A_98 = tpu.memref_slice %arg2[%dma_wait3A_96, %dma_wait3A_97] : memref<100000x128xf32, #tpu.memory_space<hbm>> -> memref<128x128xf32, #tpu.memory_space<hbm>>
    %dma_wait3A_99 = arith.constant 0 : i32
    %dma_wait3A_100 = arith.constant 0 : i32
    %dma_wait3A_101 = tpu.memref_slice %arg2[%dma_wait3A_99, %dma_wait3A_100] : memref<100000x128xf32, #tpu.memory_space<hbm>> -> memref<128x128xf32, #tpu.memory_space<hbm>>
    tpu.wait_dma2 semaphore(%arg16 : memref<!tpu.dma_semaphore, #tpu.memory_space<semaphore_mem>>) src(%dma_wait3A_101 : memref<128x128xf32, #tpu.memory_space<hbm>>) dst(%arg8 : memref<128x128xf32, #tpu.memory_space<vmem>>)
    %dma_wait3A_102 = arith.constant 0 : i32
    %dma_wait3A_103 = arith.constant 0 : i32
    %dma_wait3A_104 = tpu.memref_slice %arg2[%dma_wait3A_102, %dma_wait3A_103] : memref<100000x128xf32, #tpu.memory_space<hbm>> -> memref<128x128xf32, #tpu.memory_space<hbm>>
    %dma_wait3A_105 = arith.constant 0 : i32
    %dma_wait3A_106 = arith.constant 0 : i32
    %dma_wait3A_107 = tpu.memref_slice %arg2[%dma_wait3A_105, %dma_wait3A_106] : memref<100000x128xf32, #tpu.memory_space<hbm>> -> memref<128x128xf32, #tpu.memory_space<hbm>>
    tpu.wait_dma2 semaphore(%arg17 : memref<!tpu.dma_semaphore, #tpu.memory_space<semaphore_mem>>) src(%dma_wait3A_107 : memref<128x128xf32, #tpu.memory_space<hbm>>) dst(%arg9 : memref<128x128xf32, #tpu.memory_space<vmem>>)
    return
  }
}

module attributes {stable_mosaic.version = 14 : i64} {
  func.func @_table_body(%arg0: i32, %arg1: memref<4000x128xf32, #tpu.memory_space<vmem>>, %arg2: memref<8x128xf32, #tpu.memory_space<vmem>>, %arg3: memref<8x128xf32, #tpu.memory_space<vmem>>, %arg4: memref<640x128xf32, #tpu.memory_space<vmem>>, %arg5: memref<1x128xf32, #tpu.memory_space<vmem>>, %arg6: memref<128x128xf32, #tpu.memory_space<vmem>>, %arg7: memref<1x128xf32, #tpu.memory_space<vmem>>, %arg8: memref<4000x128xf32, #tpu.memory_space<vmem>>) attributes {dimension_semantics = [#tpu.dimension_semantics<arbitrary>], iteration_bounds = array<i64: 25>, scalar_prefetch = 0 : i64, scratch_operands = 0 : i64, tpu.core_type = #tpu.core_type<tc>, window_params = [{transform_indices = @transform_0, window_bounds = array<i64: 4000, 128>}, {transform_indices = @transform_1, window_bounds = array<i64: 8, 128>}, {transform_indices = @transform_2, window_bounds = array<i64: 8, 128>}, {pipeline_mode = #tpu.pipeline_mode<synchronous>, transform_indices = @transform_3, window_bounds = array<i64: 640, 128>}, {pipeline_mode = #tpu.pipeline_mode<synchronous>, transform_indices = @transform_4, window_bounds = array<i64: 1, 128>}, {pipeline_mode = #tpu.pipeline_mode<synchronous>, transform_indices = @transform_5, window_bounds = array<i64: 128, 128>}, {pipeline_mode = #tpu.pipeline_mode<synchronous>, transform_indices = @transform_6, window_bounds = array<i64: 1, 128>}, {transform_indices = @transform_7, window_bounds = array<i64: 4000, 128>}]} {
    %get3A = arith.constant 0 : index
    %get3A_0 = arith.constant 0 : index
    %get3A_1 = vector.load %arg1[%get3A, %get3A_0] : memref<4000x128xf32, #tpu.memory_space<vmem>>, vector<4000x128xf32>
    %eq3A = arith.constant 0 : i32
    %eq3A_2 = arith.cmpi eq, %arg0, %eq3A : i32
    %slice3A = vector.extract_strided_slice %get3A_1 {offsets = [0, 0], sizes = [1, 128], strides = [1, 1]} : vector<4000x128xf32> to vector<1x128xf32>
    %broadcast_in_dim3A = vector.shape_cast %slice3A : vector<1x128xf32> to vector<1x128xf32>
    %broadcast_in_dim3A_3 = vector.broadcast %broadcast_in_dim3A : vector<1x128xf32> to vector<2x128xf32>
    %get3A_4 = arith.constant 6 : index
    %get3A_5 = arith.constant 0 : index
    %get3A_6 = vector.load %arg2[%get3A_4, %get3A_5] : memref<8x128xf32, #tpu.memory_space<vmem>>, vector<2x128xf32>
    %select_n3A = arith.select %eq3A_2, %broadcast_in_dim3A_3, %get3A_6 : vector<2x128xf32>
    %eq3A_7 = arith.constant 24 : i32
    %eq3A_8 = arith.cmpi eq, %arg0, %eq3A_7 : i32
    %slice3A_9 = vector.extract_strided_slice %get3A_1 {offsets = [3999, 0], sizes = [1, 128], strides = [1, 1]} : vector<4000x128xf32> to vector<1x128xf32>
    %broadcast_in_dim3A_10 = vector.shape_cast %slice3A_9 : vector<1x128xf32> to vector<1x128xf32>
    %broadcast_in_dim3A_11 = vector.broadcast %broadcast_in_dim3A_10 : vector<1x128xf32> to vector<2x128xf32>
    %get3A_12 = arith.constant 0 : index
    %get3A_13 = arith.constant 0 : index
    %get3A_14 = vector.load %arg3[%get3A_12, %get3A_13] : memref<8x128xf32, #tpu.memory_space<vmem>>, vector<2x128xf32>
    %select_n3A_15 = arith.select %eq3A_8, %broadcast_in_dim3A_11, %get3A_14 : vector<2x128xf32>
    %slice3A_16 = vector.extract_strided_slice %get3A_1 {offsets = [0, 0], sizes = [3998, 128], strides = [1, 1]} : vector<4000x128xf32> to vector<3998x128xf32>
    %concatenate3A = tpu.concatenate %select_n3A, %slice3A_16 in 0 : vector<2x128xf32>, vector<3998x128xf32> -> vector<4000x128xf32>
    %slice3A_17 = vector.extract_strided_slice %select_n3A {offsets = [1, 0], sizes = [1, 128], strides = [1, 1]} : vector<2x128xf32> to vector<1x128xf32>
    %slice3A_18 = vector.extract_strided_slice %get3A_1 {offsets = [0, 0], sizes = [3999, 128], strides = [1, 1]} : vector<4000x128xf32> to vector<3999x128xf32>
    %concatenate3A_19 = tpu.concatenate %slice3A_17, %slice3A_18 in 0 : vector<1x128xf32>, vector<3999x128xf32> -> vector<4000x128xf32>
    %slice3A_20 = vector.extract_strided_slice %get3A_1 {offsets = [1, 0], sizes = [3999, 128], strides = [1, 1]} : vector<4000x128xf32> to vector<3999x128xf32>
    %slice3A_21 = vector.extract_strided_slice %select_n3A_15 {offsets = [0, 0], sizes = [1, 128], strides = [1, 1]} : vector<2x128xf32> to vector<1x128xf32>
    %concatenate3A_22 = tpu.concatenate %slice3A_20, %slice3A_21 in 0 : vector<3999x128xf32>, vector<1x128xf32> -> vector<4000x128xf32>
    %slice3A_23 = vector.extract_strided_slice %get3A_1 {offsets = [2, 0], sizes = [3998, 128], strides = [1, 1]} : vector<4000x128xf32> to vector<3998x128xf32>
    %concatenate3A_24 = tpu.concatenate %slice3A_23, %select_n3A_15 in 0 : vector<3998x128xf32>, vector<2x128xf32> -> vector<4000x128xf32>
    %concatenate3A_25 = tpu.concatenate %concatenate3A, %concatenate3A_19, %get3A_1, %concatenate3A_22, %concatenate3A_24 in 1 : vector<4000x128xf32>, vector<4000x128xf32>, vector<4000x128xf32>, vector<4000x128xf32>, vector<4000x128xf32> -> vector<4000x640xf32>
    %get3A_26 = arith.constant 0 : index
    %get3A_27 = arith.constant 0 : index
    %get3A_28 = vector.load %arg4[%get3A_26, %get3A_27] : memref<640x128xf32, #tpu.memory_space<vmem>>, vector<640x128xf32>
    %dot_general3A = arith.constant dense<0.000000e+00> : vector<4000x128xf32>
    %dot_general3A_29 = tpu.matmul %concatenate3A_25, %get3A_28, %dot_general3A {dimension_numbers = #tpu.dot_dimension_numbers<[1], [0], [0], [1], [0, 0, 1, 1], [], []>, transpose_lhs_hint = false} : vector<4000x640xf32>, vector<640x128xf32>, vector<4000x128xf32> -> vector<4000x128xf32>
    %get3A_30 = arith.constant 0 : index
    %get3A_31 = arith.constant 0 : index
    %get3A_32 = vector.load %arg5[%get3A_30, %get3A_31] : memref<1x128xf32, #tpu.memory_space<vmem>>, vector<1x128xf32>
    %add3A = vector.broadcast %get3A_32 : vector<1x128xf32> to vector<4000x128xf32>
    %add3A_33 = arith.addf %dot_general3A_29, %add3A : vector<4000x128xf32>
    %max3A = arith.constant 0.000000e+00 : f32
    %max3A_34 = vector.broadcast %max3A : f32 to vector<4000x128xf32>
    %max3A_35 = arith.maximumf %add3A_33, %max3A_34 : vector<4000x128xf32>
    %get3A_36 = arith.constant 0 : index
    %get3A_37 = arith.constant 0 : index
    %get3A_38 = vector.load %arg6[%get3A_36, %get3A_37] : memref<128x128xf32, #tpu.memory_space<vmem>>, vector<128x128xf32>
    %dot_general3A_39 = arith.constant dense<0.000000e+00> : vector<4000x128xf32>
    %dot_general3A_40 = tpu.matmul %max3A_35, %get3A_38, %dot_general3A_39 {dimension_numbers = #tpu.dot_dimension_numbers<[1], [0], [0], [1], [0, 0, 1, 1], [], []>, transpose_lhs_hint = false} : vector<4000x128xf32>, vector<128x128xf32>, vector<4000x128xf32> -> vector<4000x128xf32>
    %get3A_41 = arith.constant 0 : index
    %get3A_42 = arith.constant 0 : index
    %get3A_43 = vector.load %arg7[%get3A_41, %get3A_42] : memref<1x128xf32, #tpu.memory_space<vmem>>, vector<1x128xf32>
    %add3A_44 = vector.broadcast %get3A_43 : vector<1x128xf32> to vector<4000x128xf32>
    %add3A_45 = arith.addf %dot_general3A_40, %add3A_44 : vector<4000x128xf32>
    %swap3A = arith.constant 0 : index
    %swap3A_46 = arith.constant 0 : index
    %swap3A_47 = vector.load %arg8[%swap3A, %swap3A_46] : memref<4000x128xf32, #tpu.memory_space<vmem>>, vector<4000x128xf32>
    tpu.vector_store %arg8[%swap3A, %swap3A_46], %add3A_45 {strides = array<i32>} : memref<4000x128xf32, #tpu.memory_space<vmem>>, vector<4000x128xf32>,
    return
  }
  func.func @transform_0(%arg0: i32) -> (i32, i32) {
    %c0_i32 = arith.constant 0 : i32
    %c0_i32_0 = arith.constant 0 : i32
    return %arg0, %c0_i32 : i32, i32
  }
  func.func @transform_1(%arg0: i32) -> (i32, i32) {
    %mul3A = arith.constant 500 : i32
    %mul3A_0 = arith.muli %mul3A, %arg0 : i32
    %sub3A = arith.constant 1 : i32
    %sub3A_1 = arith.subi %mul3A_0, %sub3A : i32
    %max3A = arith.constant 0 : i32
    %max3A_2 = arith.maxsi %sub3A_1, %max3A : i32
    %c0_i32 = arith.constant 0 : i32
    %c0_i32_3 = arith.constant 0 : i32
    return %max3A_2, %c0_i32 : i32, i32
  }
  func.func @transform_2(%arg0: i32) -> (i32, i32) {
    %add3A = arith.constant 1 : i32
    %add3A_0 = arith.addi %arg0, %add3A : i32
    %mul3A = arith.constant 500 : i32
    %mul3A_1 = arith.muli %mul3A, %add3A_0 : i32
    %min3A = arith.constant 12499 : i32
    %min3A_2 = arith.minsi %mul3A_1, %min3A : i32
    %c0_i32 = arith.constant 0 : i32
    %c0_i32_3 = arith.constant 0 : i32
    return %min3A_2, %c0_i32 : i32, i32
  }
  func.func @transform_3(%arg0: i32) -> (i32, i32) {
    %c0_i32 = arith.constant 0 : i32
    %c0_i32_0 = arith.constant 0 : i32
    %c0_i32_1 = arith.constant 0 : i32
    return %c0_i32, %c0_i32_0 : i32, i32
  }
  func.func @transform_4(%arg0: i32) -> (i32, i32) {
    %c0_i32 = arith.constant 0 : i32
    %c0_i32_0 = arith.constant 0 : i32
    %c0_i32_1 = arith.constant 0 : i32
    return %c0_i32, %c0_i32_0 : i32, i32
  }
  func.func @transform_5(%arg0: i32) -> (i32, i32) {
    %c0_i32 = arith.constant 0 : i32
    %c0_i32_0 = arith.constant 0 : i32
    %c0_i32_1 = arith.constant 0 : i32
    return %c0_i32, %c0_i32_0 : i32, i32
  }
  func.func @transform_6(%arg0: i32) -> (i32, i32) {
    %c0_i32 = arith.constant 0 : i32
    %c0_i32_0 = arith.constant 0 : i32
    %c0_i32_1 = arith.constant 0 : i32
    return %c0_i32, %c0_i32_0 : i32, i32
  }
  func.func @transform_7(%arg0: i32) -> (i32, i32) {
    %c0_i32 = arith.constant 0 : i32
    %c0_i32_0 = arith.constant 0 : i32
    return %arg0, %c0_i32 : i32, i32
  }
}

</mosaic_0001>

<sc_bundles>
// kernel: kernel.4.cloned.1.call-start
scs
__scs_entry_jumppad:
0x0: {  	(pc) =	sbr.rel $0x88, $3  }
0x1: {  	(tag) =	ssettag $0x0;
	lr =	simm.s32 $0x1  }
0x2: {  	[smem:$0x3F9B] =	sst lr;
	_ =	strace $0xD0000000  }
0x3: {  	_ = 	snop  }
0x4: {  	_ = 	snop  }
0x5: {  	_ = 	snop  }
0x6: {  	_ = 	snop  }
0x7: {  	_ = 	snop  }
__scs_overlays_trampoline_lowered:
0x8: {  	[smem:$0x3FAA] =	sst s0  }
0x9: {  	[smem:$0x3FAB] =	sst s1  }
0xa: {  	[smem:$0x3FAC] =	sst s2  }
0xb: {  	[smem:$0x3FAD] =	sst s3  }
0xc: {  	[smem:$0x3FAE] =	sst s4  }
0xd: {  	[smem:$0x3FAF] =	sst s5  }
0xe: {  	[smem:$0x3FB0] =	sst s6  }
0xf: {  	[smem:$0x3FB1] =	sst s7  }
0x10: {  	[smem:$0x3FB2] =	sst s8  }
0x11: {  	[smem:$0x3FB3] =	sst s9;
	s0 =	simm.s32 @!p0 $0x0  }
0x12: {  	s1 =	sld [smem:$0x3F99];
	s0 =	simm.s32 @p0 $0x1  }
0x13: {  	[smem:$0x3FB4] =	sst s0;
	s0 =	simm.s32 @!p1 $0x0  }
0x14: {  	s2 =	sld [smem:$0x3F98];
	s0 =	simm.s32 @p1 $0x1  }
0x15: {  	[smem:$0x3FB5] =	sst s0;
	s0 =	simm.s32 @!p2 $0x0  }
0x16: {  	s3 =	sld [smem:$0x3FDB];
	s0 =	simm.s32 @p2 $0x1  }
0x17: {  	s4 =	simm.s32 $0x1BF5;
	[smem:$0x3FB7] =	sst s0  }
0x18: {  	s0 =	sld [smem:$0x3F9A];
	_ =	swait.ge [sflag:s4], $0x0  }
0x19: {  	s7 =	sld [smem:$0x3F9B]  }
0x1a: {  	s8 =	sadd.s32 $0xFFFFE003, lr  }
0x1b: {  	s9 =	sadd.s32 $0xFFFFFEF7, lr;
	s5 =	simm.s32 $0xFFFFFFFF;
	p2 =	slt.u32 s8, $0xFFFFF086  }
0x1c: {  	p1 =	slt.u32 s9, $0xF7A;
	s5 =	simm.s32 @!p2 $0x0  }
0x1d: {  	s5 =	simm.s32 @p1 $0x1;
	p0 =	seq.s32 s7, s2  }
0x1e: {  	s7 =	smul.u32 @!p0 $0xF7A, s2;
	p2 =	seq.s32 @!p0 s5, $0x0  }
0x1f: {  	s9 =	smul.u32 $0xF7A, s1;
	s8 =	simm.s32 @!p0 $0x1BF5;
	p2 =	por !p2, p0  }
0x20: {  	[sflag:s8] =	ssyncset.s32 @!p0 $0xFFFFF086;
	s6 =	sadd.s32 @!p0 s3, s7;
	s7 =	simm.s32 @!p0 $0x108  }
0x21: {  	s3 =	sadd.s32 s3, s9;
	s6 =	sadd.s32 @!p0 $0x88, s6;
	s7 =	simm.s32 @p2 $0x1082  }
0x22: {  	[simem:s7], [sflag:s8] =	dma.local @!p0 [hbm:s6], $0xF7A  }
0x23: {  	s9 =	sor.u32 $0xD0000000, s2;
	s6 =	simm.s32 $0x108;
	_ =	swait.ge @!p0 [sflag:s8], $0x0  }
0x24: {  	s3 =	sadd.s32 $0x88, s3;
	s6 =	simm.s32 @!p1 $0x1082;
	[sflag:s4] =	ssyncset.s32 $0xFFFFF086  }
0x25: {  	[simem:s6], [sflag:s4] =	dma.local [hbm:s3], $0xF7A  }
0x26: {  	[smem:$0x3F9B] =	sst s1;
	(tag) =	ssettag s2;
	_ =	strace s9  }
0x27: {  	s1 =	sld [smem:$0x3FAB]  }
0x28: {  	s2 =	sld [smem:$0x3FAC]  }
0x29: {  	s4 =	sld [smem:$0x3FAE]  }
0x2a: {  	p0 =	seq.s32 s5, $0x0;
	s5 =	sld [smem:$0x3FAF]  }
0x2b: {  	s6 =	sld [smem:$0x3FB0]  }
0x2c: {  	s7 =	sld [smem:$0x3FB1]  }
0x2d: {  	s3 =	simm.s32 $0x108;
	s8 =	sld [smem:$0x3FB2]  }
0x2e: {  	s3 =	simm.s32 @!p0 $0x1082;
	s9 =	sld [smem:$0x3FB3]  }
0x2f: {  	lr =	sadd.s32 s0, s3;
	s0 =	sld [smem:$0x3FAA]  }
0x30: {  	s3 =	sld [smem:$0x3FAD]  }
0x31: {  	[smem:$0x3FB6] =	sst s10  }
0x32: {  	s10 =	sld [smem:$0x3FB4];
	_ =	sdelay $0x3  }
0x33: {  	p0 =	seq.s32 s10, $0x1;
	s10 =	sld [smem:$0x3FB6];
	_ =	sdelay $0x3  }
0x34: {  	[smem:$0x3FB6] =	sst s10  }
0x35: {  	s10 =	sld [smem:$0x3FB5];
	_ =	sdelay $0x3  }
0x36: {  	p1 =	seq.s32 s10, $0x1;
	s10 =	sld [smem:$0x3FB6];
	_ =	sdelay $0x3  }
0x37: {  	[smem:$0x3FB6] =	sst s10  }
0x38: {  	s10 =	sld [smem:$0x3FB7]  }
0x39: {  	_ = 	snop;
	(pc) =	sbr.ind lr, $3  }
0x3a: {  	_ = 	snop  }
0x3b: {  	_ = 	snop  }
0x3c: {  	p2 =	seq.s32 s10, $0x1;
	s10 =	sld [smem:$0x3FB6]  }
0x3d: {  	_ =	shalt  }
0x3e: {  	_ =	shalt  }
0x3f: {  	_ =	shalt  }
0x40: {  	_ =	shalt  }
0x41: {  	_ =	shalt  }
0x42: {  	_ =	shalt  }
0x43: {  	_ =	shalt  }
0x44: {  	_ =	shalt  }
0x45: {  	_ =	shalt  }
0x46: {  	_ =	shalt  }
0x47: {  	_ =	shalt  }
0x48: {  	_ =	shalt  }
0x49: {  	_ =	shalt  }
0x4a: {  	_ =	shalt  }
0x4b: {  	_ =	shalt  }
0x4c: {  	_ =	shalt  }
0x4d: {  	_ =	shalt  }
0x4e: {  	_ =	shalt  }
0x4f: {  	_ =	shalt  }
0x50: {  	_ =	shalt  }
0x51: {  	_ =	shalt  }
0x52: {  	_ =	shalt  }
0x53: {  	_ =	shalt  }
0x54: {  	_ =	shalt  }
0x55: {  	_ =	shalt  }
0x56: {  	_ =	shalt  }
0x57: {  	_ =	shalt  }
0x58: {  	_ =	shalt  }
0x59: {  	_ =	shalt  }
0x5a: {  	_ =	shalt  }
0x5b: {  	_ =	shalt  }
0x5c: {  	_ =	shalt  }
0x5d: {  	_ =	shalt  }
0x5e: {  	_ =	shalt  }
0x5f: {  	_ =	shalt  }
0x60: {  	_ =	shalt  }
0x61: {  	_ =	shalt  }
0x62: {  	_ =	shalt  }
0x63: {  	_ =	shalt  }
0x64: {  	_ =	shalt  }
0x65: {  	_ =	shalt  }
0x66: {  	_ =	shalt  }
0x67: {  	_ =	shalt  }
0x68: {  	_ =	shalt  }
0x69: {  	_ =	shalt  }
0x6a: {  	_ =	shalt  }
0x6b: {  	_ =	shalt  }
0x6c: {  	_ =	shalt  }
0x6d: {  	_ =	shalt  }
0x6e: {  	_ =	shalt  }
0x6f: {  	_ =	shalt  }
0x70: {  	_ =	shalt  }
0x71: {  	_ =	shalt  }
0x72: {  	_ =	shalt  }
0x73: {  	_ =	shalt  }
0x74: {  	_ =	shalt  }
0x75: {  	_ =	shalt  }
0x76: {  	_ =	shalt  }
0x77: {  	_ =	shalt  }
0x78: {  	_ =	shalt  }
0x79: {  	_ =	shalt  }
0x7a: {  	_ =	shalt  }
0x7b: {  	_ =	shalt  }
0x7c: {  	_ =	shalt  }
0x7d: {  	_ =	shalt  }
0x7e: {  	_ =	shalt  }
0x7f: {  	_ =	shalt  }
0x80: {  	_ =	shalt  }
0x81: {  	_ =	shalt  }
0x82: {  	_ =	shalt  }
0x83: {  	_ =	shalt  }
0x84: {  	_ =	shalt  }
0x85: {  	_ =	shalt  }
0x86: {  	_ =	shalt  }
0x87: {  	_ =	shalt  }
.Lfunc_end0:
.L_simem_size_0:
called_computation_lowered:
.L_overlay_start_0:
0x88: {  	s2 =	sld [smem:$0x3FD9]  }
0x89: {  	s3 =	sld [smem:$0x3FFE];
	_ =	sdelay $0x1  }
0x8a: {  	s1 =	srdreg.scid  }
0x8b: {  	s0 =	sand.u32 $0x1, s1  }
0x8c: {  	s17 =	sshll.u32 s0, $0xA;
	s2 =	sadd.s32 s3, s2  }
0x8d: {  	s2 =	sadd.s32 s2, s17  }
0x8e: {  	[smem:$0x3FC2] =	sst s2  }
0x8f: {  	_ = 	snop  }
0x90: {  	s2 =	sld [smem:$0x3FC8]  }
0x91: {  	s18 =	sld [smem:$0x3FD0];
	(tm) =	ssettm $0x1  }
0x92: {  	s4 =	sld [smem:$0x3FFB];
	_ =	sdelay $0x3  }
0x93: {  	_ =	strace s4  }
0x94: {  	s4 =	sld [smem:$0x3FFC];
	_ =	sdelay $0x3  }
0x95: {  	_ =	strace s4  }
0x96: {  	s4 =	sld [smem:$0x3FFD];
	_ =	sdelay $0x3  }
0x97: {  	_ =	strace s4  }
0x98: {  	_ =	strace $0x8FFFFFFF  }
0x99: {  	s19 =	sld [smem:$0x3FDB];
	_ =	sdelay $0x1  }
0x9a: {  	s5 =	simm.s32 $_scs_section_size  }
0x9b: {  	s6 =	simm.s32 $_size__tile_overlayer_lowered;
	s7 =	simm.s32 $_tile_overlayer_lowered  }
0x9c: {  	s22 =	simm.s32 $0x1BFF;
	s21 =	sshll.u32 s7, $0x1;
	s4 =	sadd.s32 s5, s19  }
0x9d: {  	s8 =	simm.s32 $0x0;
	s20 =	sshll.u32 s6, $0x1;
	s6 =	sadd.s32 s21, s4  }
0x9e: {  	[timem:s8], [sflag:s22] =	dma.local [hbm:s6], s20  }
0x9f: {  	_ =	swait.ge [sflag:s22], s20  }
0xa0: {  	s5 =	ssub.s32 $0x0, s20;
	[sflag:s22] =	ssyncset.done $0x0  }
0xa1: {  	[sflag:s22] =	ssyncadd.s32 s5;
	_ =	sdelay $0x1  }
0xa2: {  	s23 =	simm.s32 $0x1B8B  }
0xa3: {  	_ =	swait.ge [sflag:s23], $0x1  }
0xa4: {  	[sflag:s23] =	ssyncset.done $0x0  }
0xa5: {  	s25 =	simm.s32 $0x1B8E;
	s24 =	sld [smem:$0x3FFE];
	[sflag:s23] =	ssyncadd.s32 $0xFFFFFFFF  }
0xa6: {  	s26 =	simm.s32 $execute0_lowered;
	[smem:$0x3FD2] =	sst s25  }
0xa7: {  	s6 =	sshll.u32 s26, $0x1;
	_ =	strace $0x80000046;
	[dreg:$0x1] =	wrdreg $0xFFFFFFFF  }
0xa8: {  	s28 =	simm.s32 $_size_execute0_lowered;
	s4 =	sadd.s32 s4, s6;
	[dreg:$0x0] =	wrdreg $0x0  }
0xa9: {  	s6 =	sshll.u32 s28, $0x1;
	[dreg:$0x2] =	wrdreg s4  }
0xaa: {  	[dreg:$0x3] =	wrdreg s6  }
0xab: {  	[dreg:$0x4] =	wrdreg $0xC0  }
0xac: {  	_ =	task [dreg:s8], $0x5FFFF  }
0xad: {  	[dreg:$0x1] =	wrdreg $0xFFFFFFFF  }
0xae: {  	[dreg:$0x0] =	wrdreg $0x60  }
0xaf: {  	[dreg:$0x2] =	wrdreg s24  }
0xb0: {  	[dreg:$0x3] =	wrdreg s2  }
0xb1: {  	[dreg:$0x4] =	wrdreg s18  }
0xb2: {  	[dreg:$0x5] =	wrdreg $0x9  }
0xb3: {  	_ =	task.clear_ibuf [dreg:s8], $0x6FFFF;
	_ =	strace $0x90000046  }
0xb4: {  	s29 =	simm.s32 $0x9;
	_ =	strace $0x80000048  }
0xb5: {  	_ =	swait.ge [sflag:s29], $0x1  }
0xb6: {  	[sflag:s29] =	ssyncadd.s32 $0xFFFFFFFF  }
0xb7: {  	_ =	strace $0x90000048  }
0xb8: {  	_ =	sfence  }
0xb9: {  	s30 =	sld [smem:$0x0];
	_ =	sdelay $0x2  }
0xba: {  	s31 =	sshll.u32 s1, $0xD;
	s1 =	sshrl.u32 s1, $0x2  }
0xbb: {  	s3 =	sand.u32 $0x4000, s31;
	s1 =	sadd.s32 s1, s30  }
0xbc: {  	s0 =	sor.u32 s3, s0;
	s1 =	sshll.u32 s1, $0x11  }
0xbd: {  	s0 =	sor.u32 s1, s0  }
0xbe: {  	s0 =	sadd.s32 $0x8F2B, s0  }
0xbf: {  	[sflag:s0] =	ssyncadd.remote.s32 $0x1  }
0xc0: {  	_ =	sfence.sel $0xFFFF  }
0xc1: {  	[dreg:$0x0] =	wrdreg $0xFFFFFFFF;
	(pc) =	sbr.abs _section_cstart, $3  }
0xc2: {  	[dreg:$0x1] =	wrdreg $0xFFFFFFFF  }
0xc3: {  	_ =	task.clear_ibuf [dreg:s8], $0x2FFFF;
	_ =	strace $0x9FFFFFFF  }
0xc4: {  	(tm) =	ssettm $0x7FFFFFFF  }
0xc5: {  	_ =	shalt  }
tec
execute0_lowered:
.L_overlay_start_1:
0x0: {  	(tag) =	ssettag $0x1  }
0x1: {  	s3 =	rddreg [dreg:$0x0]  }
0x2: {  	s5 =	rddreg [dreg:$0x1]  }
0x3: {  	s8 =	rddreg [dreg:$0x2]  }
0x4: {  	s2 =	simm.s32 $0x0;
	s4 =	srdreg.scid;
	s1 =	stileid.u32  }
0x5: {  	s13 =	simm.s32 $0x2000;
	s14 =	simm.s32 $0x6000;
	s15 =	simm.s32 $0x100  }
0x6: {  	s16 =	simm.s32 $0xA000;
	s17 =	simm.s32 $0x1;
	s18 =	simm.s32 $0x180  }
0x7: {  	s19 =	simm.s32 $0xE000;
	s20 =	simm.s32 $0x2;
	s21 =	simm.s32 $0x5  }
0x8: {  	s22 =	simm.s32 $0x3;
	s23 =	simm.s32 $0x6;
	s24 =	simm.s32 $0x4  }
0x9: {  	s25 =	simm.s32 $0x7;
	s26 =	simm.s32 $0x8;
	s28 =	simm.s32 $0x0  }
0xa: {  	[smem:$0x7FF] =	sst s2;
	s9 =	sand.u32 $0x1, s4;
	s29 =	sshll.u32 s1, $0x1  }
0xb: {  	s3 =	sadd.s32 $0xC00, s3;
	s31 =	sshll.u32 s1, $0x12;
	_ =	strace $0x80000047  }
0xc: {  	s6 =	ssub.s32 $0x2, s9;
	s4 =	sor.u32 s9, s29;
	s12 =	sshll.u32 s9, $0x11  }
0xd: {  	s7 =	sshrl.u32 s6, $0x1;
	s10 =	sshll.u32 s4, $0x11;
	s30 =	sshll.u32 s4, $0xA  }
0xe: {  	s11 =	ssub.s32 s6, s7;
	s4 =	sadd.s32 s8, s10;
	s5 =	sadd.s32 s5, s30  }
0xf: {  	s10 =	sadd.s32 s31, s8;
	s6 =	sadd.s32 $0x800, s4;
	s7 =	sadd.s32 $0x1F000, s4  }
0x10: {  	s8 =	sadd.s32 $0x1F800, s4;
	s9 =	smax.u32 s11, $0x1;
	s10 =	sadd.s32 s12, s10  }
0x11: {  	s11 =	simm.s32 $0x9;
	s12 =	simm.s32 $0x80;
	s10 =	sadd.s32 $0x1800, s10  }
.LBB2_1:
0x12: {  	[tilespmem:s2], [sflag:$0x9] =	stream.linear.gather [hbm4b:s5+s2], $0x2000, $0x38;
	[tilespmem:$0x12000] =	vst v63  }
0x13: {  	_ =	swait.ge [sflag:s11], $0x2000  }
0x14: {  	[sflag:s11] =	ssyncset.done $0x0  }
0x15: {  	[sflag:s11] =	ssyncadd.s32 $0xFFFFE000  }
0x16: {  	[tilespmem:s13], [sflag:$0x1] =	stream.indirect.gather [hbm4b:s3+s12], $0x80, s2, s12, $0xb8;
	[tilespmem:$0x12000] =	vst v63  }
0x17: {  	_ = 	snop  }
0x18: {  	[tilespmem:s14], [sflag:$0x2] =	stream.indirect.gather [hbm4b:s3+s12], $0x80, s12, s12, $0xb8;
	[tilespmem:$0x12000] =	vst v63  }
0x19: {  	_ = 	snop  }
0x1a: {  	[tilespmem:s16], [sflag:$0x3] =	stream.indirect.gather [hbm4b:s3+s12], $0x80, s15, s12, $0xb8;
	[tilespmem:$0x12000] =	vst v63  }
0x1b: {  	_ =	swait.ge [sflag:s17], $0x4000  }
0x1c: {  	[sflag:s17] =	ssyncset.done $0x0  }
0x1d: {  	[sflag:s17] =	ssyncadd.s32 $0xFFFFC000  }
0x1e: {  	[hbm4b:s4+s2] =	stream.linear.scatter [tilespmem:s13], [sflag:$0x5], $0x4000, $0x38;
	[tilespmem:$0x12000] =	vst v63  }
0x1f: {  	_ = 	snop  }
0x20: {  	[tilespmem:s19], [sflag:$0x4] =	stream.indirect.gather [hbm4b:s3+s12], $0x80, s18, s12, $0xb8;
	[tilespmem:$0x12000] =	vst v63  }
0x21: {  	_ =	swait.ge [sflag:s20], $0x4000  }
0x22: {  	[sflag:s20] =	ssyncset.done $0x0  }
0x23: {  	[sflag:s20] =	ssyncadd.s32 $0xFFFFC000  }
0x24: {  	[hbm4b:s6+s2] =	stream.linear.scatter [tilespmem:s14], [sflag:$0x6], $0x4000, $0x38;
	[tilespmem:$0x12000] =	vst v63  }
0x25: {  	_ =	swait.ge [sflag:s21], $0x4000  }
0x26: {  	[sflag:s21] =	ssyncset.done $0x0  }
0x27: {  	s29 =	simm.s32 $0x200;
	[sflag:s21] =	ssyncadd.s32 $0xFFFFC000  }
0x28: {  	[tilespmem:s13], [sflag:$0x1] =	stream.indirect.gather [hbm4b:s3+s12], $0x80, s29, s12, $0xb8;
	[tilespmem:$0x12000] =	vst v63  }
0x29: {  	_ =	swait.ge [sflag:s22], $0x4000  }
0x2a: {  	[sflag:s22] =	ssyncset.done $0x0  }
0x2b: {  	s29 =	sadd.s32 $0xFFFFF800, s10;
	[sflag:s22] =	ssyncadd.s32 $0xFFFFC000  }
0x2c: {  	[hbm4b:s29+s2] =	stream.linear.scatter [tilespmem:s16], [sflag:$0x7], $0x4000, $0x38;
	[tilespmem:$0x12000] =	vst v63  }
0x2d: {  	_ =	swait.ge [sflag:s23], $0x4000  }
0x2e: {  	[sflag:s23] =	ssyncset.done $0x0  }
0x2f: {  	s29 =	simm.s32 $0x280;
	[sflag:s23] =	ssyncadd.s32 $0xFFFFC000  }
0x30: {  	[tilespmem:s14], [sflag:$0x2] =	stream.indirect.gather [hbm4b:s3+s12], $0x80, s29, s12, $0xb8;
	[tilespmem:$0x12000] =	vst v63  }
0x31: {  	_ =	swait.ge [sflag:s24], $0x4000  }
0x32: {  	[sflag:s24] =	ssyncset.done $0x0  }
0x33: {  	[sflag:s24] =	ssyncadd.s32 $0xFFFFC000  }
0x34: {  	[hbm4b:s10+s2] =	stream.linear.scatter [tilespmem:s19], [sflag:$0x8], $0x4000, $0x38;
	[tilespmem:$0x12000] =	vst v63  }
0x35: {  	_ =	swait.ge [sflag:s25], $0x4000  }
0x36: {  	[sflag:s25] =	ssyncset.done $0x0  }
0x37: {  	s29 =	simm.s32 $0x300;
	[sflag:s25] =	ssyncadd.s32 $0xFFFFC000  }
0x38: {  	[tilespmem:s16], [sflag:$0x3] =	stream.indirect.gather [hbm4b:s3+s12], $0x80, s29, s12, $0xb8;
	[tilespmem:$0x12000] =	vst v63  }
0x39: {  	_ =	swait.ge [sflag:s17], $0x4000  }
0x3a: {  	[sflag:s17] =	ssyncset.done $0x0  }
0x3b: {  	s29 =	sadd.s32 $0x800, s10;
	[sflag:s17] =	ssyncadd.s32 $0xFFFFC000  }
0x3c: {  	[hbm4b:s29+s2] =	stream.linear.scatter [tilespmem:s13], [sflag:$0x5], $0x4000, $0x38;
	[tilespmem:$0x12000] =	vst v63  }
0x3d: {  	_ =	swait.ge [sflag:s26], $0x4000  }
0x3e: {  	[sflag:s26] =	ssyncset.done $0x0  }
0x3f: {  	s29 =	simm.s32 $0x380;
	[sflag:s26] =	ssyncadd.s32 $0xFFFFC000  }
0x40: {  	[tilespmem:s19], [sflag:$0x4] =	stream.indirect.gather [hbm4b:s3+s12], $0x80, s29, s12, $0xb8;
	[tilespmem:$0x12000] =	vst v63  }
0x41: {  	_ =	swait.ge [sflag:s20], $0x4000  }
0x42: {  	s31 =	sadd.s32 $0x1000, s10;
	[sflag:s20] =	ssyncset.done $0x0  }
0x43: {  	s30 =	sadd.s32 $0x2000, s10;
	s29 =	simm.s32 $0x800;
	[sflag:s20] =	ssyncadd.s32 $0xFFFFC000  }
.LBB2_2:
0x44: {  	[hbm4b:s31+s2] =	stream.linear.scatter [tilespmem:s14], [sflag:$0x6], $0x4000, $0x38;
	[tilespmem:$0x12000] =	vst v63  }
0x45: {  	s31 =	smov.u32 s29  }
0x46: {  	p0 =	sne.s32 s29, $0x7000;
	s29 =	sadd.s32 $0x800, s29;
	_ =	swait.ge [sflag:s21], $0x4000  }
0x47: {  	s31 =	sshra.s32 s31, $0x2;
	[sflag:s21] =	ssyncset.done $0x0  }
0x48: {  	s0 =	sadd.s32 $0x200, s31;
	[sflag:s21] =	ssyncadd.s32 $0xFFFFC000  }
0x49: {  	[tilespmem:s13], [sflag:$0x1] =	stream.indirect.gather [hbm4b:s3+s12], $0x80, s0, s12, $0xb8;
	[tilespmem:$0x12000] =	vst v63  }
0x4a: {  	_ =	swait.ge [sflag:s22], $0x4000  }
0x4b: {  	[sflag:s22] =	ssyncset.done $0x0  }
0x4c: {  	s0 =	sadd.s32 $0xFFFFF800, s30;
	[sflag:s22] =	ssyncadd.s32 $0xFFFFC000  }
0x4d: {  	[hbm4b:s0+s2] =	stream.linear.scatter [tilespmem:s16], [sflag:$0x7], $0x4000, $0x38;
	[tilespmem:$0x12000] =	vst v63  }
0x4e: {  	_ =	swait.ge [sflag:s23], $0x4000  }
0x4f: {  	[sflag:s23] =	ssyncset.done $0x0  }
0x50: {  	s0 =	sadd.s32 $0x280, s31;
	[sflag:s23] =	ssyncadd.s32 $0xFFFFC000  }
0x51: {  	[tilespmem:s14], [sflag:$0x2] =	stream.indirect.gather [hbm4b:s3+s12], $0x80, s0, s12, $0xb8;
	[tilespmem:$0x12000] =	vst v63  }
0x52: {  	_ =	swait.ge [sflag:s24], $0x4000  }
0x53: {  	[sflag:s24] =	ssyncset.done $0x0  }
0x54: {  	[sflag:s24] =	ssyncadd.s32 $0xFFFFC000  }
0x55: {  	[hbm4b:s30+s2] =	stream.linear.scatter [tilespmem:s19], [sflag:$0x8], $0x4000, $0x38;
	[tilespmem:$0x12000] =	vst v63  }
0x56: {  	_ =	swait.ge [sflag:s25], $0x4000  }
0x57: {  	[sflag:s25] =	ssyncset.done $0x0  }
0x58: {  	s0 =	sadd.s32 $0x300, s31;
	[sflag:s25] =	ssyncadd.s32 $0xFFFFC000  }
0x59: {  	[tilespmem:s16], [sflag:$0x3] =	stream.indirect.gather [hbm4b:s3+s12], $0x80, s0, s12, $0xb8;
	[tilespmem:$0x12000] =	vst v63  }
0x5a: {  	_ =	swait.ge [sflag:s17], $0x4000  }
0x5b: {  	[sflag:s17] =	ssyncset.done $0x0  }
0x5c: {  	s0 =	sadd.s32 $0x800, s30;
	[sflag:s17] =	ssyncadd.s32 $0xFFFFC000  }
0x5d: {  	[hbm4b:s0+s2] =	stream.linear.scatter [tilespmem:s13], [sflag:$0x5], $0x4000, $0x38;
	[tilespmem:$0x12000] =	vst v63  }
0x5e: {  	_ =	swait.ge [sflag:s26], $0x4000  }
0x5f: {  	[sflag:s26] =	ssyncset.done $0x0  }
.Ltmp0:
0x60: {  	s0 =	sadd.s32 $0x380, s31;
	[sflag:s26] =	ssyncadd.s32 $0xFFFFC000;
	(pc) =	sbr.rel @p0 .LBB2_2-.Ltmp0, $4  }
0x61: {  	[tilespmem:s19], [sflag:$0x4] =	stream.indirect.gather [hbm4b:s3+s12], $0x80, s0, s12, $0xb8;
	[tilespmem:$0x12000] =	vst v63  }
0x62: {  	_ =	swait.ge [sflag:s20], $0x4000  }
0x63: {  	[sflag:s20] =	ssyncset.done $0x0  }
0x64: {  	s31 =	sadd.s32 $0x1000, s30;
	s30 =	sadd.s32 $0x2000, s30;
	[sflag:s20] =	ssyncadd.s32 $0xFFFFC000  }
0x65: {  	[hbm4b:s31+s2] =	stream.linear.scatter [tilespmem:s14], [sflag:$0x6], $0x4000, $0x38;
	[tilespmem:$0x12000] =	vst v63  }
0x66: {  	_ =	swait.ge [sflag:s22], $0x4000  }
0x67: {  	[sflag:s22] =	ssyncset.done $0x0  }
0x68: {  	[sflag:s22] =	ssyncadd.s32 $0xFFFFC000  }
0x69: {  	[hbm4b:s7+s2] =	stream.linear.scatter [tilespmem:s16], [sflag:$0x7], $0x4000, $0x38;
	[tilespmem:$0x12000] =	vst v63  }
0x6a: {  	_ =	swait.ge [sflag:s24], $0x4000  }
0x6b: {  	[sflag:s24] =	ssyncset.done $0x0  }
0x6c: {  	[sflag:s24] =	ssyncadd.s32 $0xFFFFC000  }
0x6d: {  	[hbm4b:s8+s2] =	stream.linear.scatter [tilespmem:s19], [sflag:$0x8], $0x4000, $0x38;
	[tilespmem:$0x12000] =	vst v63  }
0x6e: {  	_ =	swait.ge [sflag:s21], $0x4000  }
0x6f: {  	[sflag:s21] =	ssyncset.done $0x0  }
0x70: {  	[sflag:s21] =	ssyncadd.s32 $0xFFFFC000  }
0x71: {  	_ =	swait.ge [sflag:s23], $0x4000  }
0x72: {  	[sflag:s23] =	ssyncset.done $0x0  }
0x73: {  	s28 =	sadd.s32 $0x1, s28;
	[sflag:s23] =	ssyncadd.s32 $0xFFFFC000  }
0x74: {  	p0 =	sne.s32 s28, s9;
	_ =	swait.ge [sflag:s25], $0x4000  }
.Ltmp1:
0x75: {  	[sflag:s25] =	ssyncset.done $0x0;
	(pc) =	sbr.rel @p0 .LBB2_1-.Ltmp1, $4  }
0x76: {  	[sflag:s25] =	ssyncadd.s32 $0xFFFFC000  }
0x77: {  	_ =	swait.ge [sflag:s26], $0x4000  }
0x78: {  	[sflag:s26] =	ssyncset.done $0x0  }
0x79: {  	[sflag:s26] =	ssyncadd.s32 $0xFFFFC000  }
0x7a: {  	_ =	sfence.sel $0x180000  }
0x7b: {  	[bflag:$0x0] =	sbarrier.arrive $0xFFFF  }
0x7c: {  	_ =	strace $0x90000047  }
0x7d: {  	[bflag:$0x2] =	sbarrier.arrive $0xFFFF  }
0x7e: {  	p0 =	sne.s32 s1, $0x0;
	s0 =	rddreg [dreg:$0x3]  }
0x7f: {  	s0 =	sadd.s32 @!p0 $0x100000, s0  }
0x80: {  	[sflag:s0] =	ssyncadd.tile.s32 @!p0 $0x1;
	_ =	shalt  }
.Lfunc_end2:
_tile_overlayer_lowered:
.L_overlay_start_2:
0x81: {  	(tag) =	ssettag $0x2  }
0x82: {  	s0 =	rddreg [dreg:$0x0];
	s2 =	stileid.u32  }
0x83: {  	s1 =	rddreg [dreg:$0x1];
	p0 =	sne.s32 s2, $0x0  }
0x84: {  	s3 =	rddreg [dreg:$0x2];
	[bflag:$0x3] =	sbarrier.arrive $0xFFFF;
	s2 =	simm.s32 @!p0 $0x1C09  }
0x85: {  	[timem:s3], [sflag:s2] =	dma.local @!p0 [hbm:s0], s1  }
0x86: {  	s0 =	simm.s32 @!p0 $0x9  }
0x87: {  	_ =	swait.ge @!p0 [sflag:s0], s1  }
0x88: {  	s1 =	ssub.s32 @!p0 $0x0, s1;
	[sflag:s0] =	ssyncset.done @!p0 $0x0  }
0x89: {  	[sflag:s0] =	ssyncadd.s32 @!p0 s1  }
0x8a: {  	[bflag:$0x3] =	sbarrier.arrive $0xFFFF  }
0x8b: {  	_ =	shalt  }

</sc_bundles>
